<compile_context>
chip_gen: v7x
topology: tpu7x:2x2x1
jax: 0.10.2.dev20260603
libtpu: 0.0.44.dev20260713+nightly
codegen_flags: <defaults>
</compile_context>

<pallas_src>
import functools

import jax
import jax.numpy as jnp
from jax import lax
from jax.experimental import pallas as pl
from jax.experimental.pallas import tpu as pltpu
from jax.experimental.pallas import tpu_sc as plsc

_NUM_CODES = 8192
_DIM = 32
_COMMIT = 0.25

_BM = 1024
_BN = 4096

_NC = 2
_NS = 16
_NW = _NC * _NS


def _dist_argmin_body(z_ref, cbt_ref, zn_ref, en_ref, idx_ref, dsum_ref,
                      acc_bf, acc_idx, acc_val):
    i = pl.program_id(0)
    j = pl.program_id(1)
    nj = pl.num_programs(1)

    zv = z_ref[...]
    cv = cbt_ref[...]
    zn = zn_ref[...]
    en = en_ref[...]

    dot = lax.dot_general(zv, cv, (((1,), (0,)), ((), ())),
                          preferred_element_type=jnp.float32)
    dist = (zn + en) - 2.0 * dot

    loc_min = jnp.min(dist, axis=1, keepdims=True)
    iota = lax.broadcasted_iota(jnp.int32, (_BM, _BN), 1)
    loc_arg = jnp.min(jnp.where(dist == loc_min, iota, _BN),
                      axis=1, keepdims=True) + j * _BN

    @pl.when(j == 0)
    def _init():
        acc_bf[...] = jnp.full((_BM, 1), jnp.inf, jnp.bfloat16)
        acc_idx[...] = jnp.zeros((_BM, 1), jnp.int32)
        acc_val[...] = jnp.zeros((_BM, 1), jnp.float32)

    accv = acc_bf[...].astype(jnp.float32)
    keep = accv <= loc_min
    acc_idx[...] = jnp.where(keep, acc_idx[...], loc_arg)
    acc_val[...] = jnp.where(keep, acc_val[...], loc_min)
    acc_bf[...] = jnp.where(keep, accv, loc_min).astype(jnp.bfloat16)

    @pl.when(j == nj - 1)
    def _emit():
        idx_ref[...] = acc_idx[...].reshape(1, _BM, 1)
        part = jnp.sum(acc_val[...])

        @pl.when(i == 0)
        def _first():
            dsum_ref[0, 0] = part

        @pl.when(i > 0)
        def _acc():
            dsum_ref[0, 0] = dsum_ref[0, 0] + part


def _dist_argmin(z_flat, cbt, zn, en, interpret=False):
    m = z_flat.shape[0]
    grid = (m // _BM, _NUM_CODES // _BN)
    return pl.pallas_call(
        _dist_argmin_body,
        grid=grid,
        in_specs=[
            pl.BlockSpec((_BM, _DIM), lambda i, j: (i, 0)),
            pl.BlockSpec((_DIM, _BN), lambda i, j: (0, j)),
            pl.BlockSpec((_BM, 1), lambda i, j: (i, 0)),
            pl.BlockSpec((1, _BN), lambda i, j: (0, j)),
        ],
        out_specs=[
            pl.BlockSpec((1, _BM, 1), lambda i, j: (i, 0, 0)),
            pl.BlockSpec(memory_space=pltpu.SMEM),
        ],
        out_shape=[
            jax.ShapeDtypeStruct((m // _BM, _BM, 1), jnp.int32),
            jax.ShapeDtypeStruct((1, 1), jnp.float32),
        ],
        scratch_shapes=[
            pltpu.VMEM((_BM, 1), jnp.bfloat16),
            pltpu.VMEM((_BM, 1), jnp.int32),
            pltpu.VMEM((_BM, 1), jnp.float32),
        ],
        interpret=interpret,
    )(z_flat, cbt, zn, en)


def _sc_gather_st(codebook, idx2d, z_flat):
    m = z_flat.shape[0]
    bpw = m // _NW
    nch = bpw // 128

    mesh = plsc.VectorSubcoreMesh(core_axis_name="c", subcore_axis_name="s")

    @functools.partial(
        pl.kernel,
        mesh=mesh,
        out_type=jax.ShapeDtypeStruct((m, _DIM), jnp.float32),
        scratch_types=[
            pltpu.VMEM((nch, 128), jnp.int32),
            pltpu.VMEM((bpw, _DIM), jnp.float32),
            pltpu.VMEM((bpw, _DIM), jnp.float32),
            pltpu.SemaphoreType.DMA,
        ],
        compiler_params=pltpu.CompilerParams(use_tc_tiling_on_sc=False),
    )
    def body(cb_hbm, idx_hbm, z_hbm, out_hbm, idx_v, rows_v, z_v, sem):
        wid = lax.axis_index("s") * _NC + lax.axis_index("c")
        base = wid * bpw
        pltpu.sync_copy(idx_hbm.at[pl.ds(wid * nch, nch)], idx_v)
        pltpu.sync_copy(z_hbm.at[pl.ds(base, bpw)], z_v)
        for k in range(nch):
            pltpu.async_copy(cb_hbm.at[idx_v.at[k]],
                             rows_v.at[pl.ds(k * 128, 128)], sem).wait()

        def st_body(r, carry):
            for c in (0, 16):
                zv = z_v[r, pl.ds(c, 16)]
                qv = rows_v[r, pl.ds(c, 16)]
                rows_v[r, pl.ds(c, 16)] = zv + (qv - zv)
            return carry

        lax.fori_loop(0, bpw, st_body, 0)
        pltpu.sync_copy(rows_v, out_hbm.at[pl.ds(base, bpw)])

    return body(codebook, idx2d, z_flat)


def _zn_fused_order(z_flat):
    sq = z_flat * z_flat
    a = ((sq[:, 0:8] + sq[:, 8:16]) + sq[:, 16:24]) + sq[:, 24:32]
    b = a[:, 0:4] + a[:, 4:8]
    c = b[:, 0:2] + b[:, 2:4]
    return c[:, 0:1] + c[:, 1:2]


def kernel(z, codebook):
    b, n, dd = z.shape
    m = b * n
    z_flat = z.reshape(m, dd)
    cbt = codebook.T
    zn = _zn_fused_order(z_flat)
    en = jnp.sum(codebook ** 2, axis=1).reshape(1, _NUM_CODES)

    idx_blocks, dsum = _dist_argmin(z_flat, cbt, zn, en)
    indices_2d = idx_blocks.reshape(b, n)

    idx_chunks = idx_blocks.reshape(m // 128, 128)
    z_q_st = _sc_gather_st(codebook, idx_chunks, z_flat).reshape(b, n, dd)

    mse = dsum[0, 0] / jnp.float32(m * dd)
    codebook_loss = mse
    commit_loss = _COMMIT * mse
    vq_loss = codebook_loss + commit_loss
    return (z_q_st, indices_2d, vq_loss, codebook_loss, commit_loss)

# --- scband reference (transcript-rebuilt; emitter-appended) ---
"""Pipeline reference for scband-vector-quantizer-21586505629908 (READ-ONLY COPY).

The authoritative reference and input builder live on the scoring server;
editing this copy changes nothing except your own understanding.
"""

import jax, jax.numpy as jnp
import numpy as np

NUM_CODES = 8192
EMBED_DIM = 32
COMMITMENT_COST = 0.25


def setup_inputs(seed: int = 0) -> dict:
    key = jax.random.key(seed)
    k_z, k_cb = jax.random.split(key)
    z = jax.random.normal(k_z, (16, 1024, EMBED_DIM), dtype=jnp.float32)
    lim = 1.0 / NUM_CODES
    codebook = jax.random.uniform(k_cb, (NUM_CODES, EMBED_DIM), dtype=jnp.float32, minval=-lim, maxval=lim)
    return {"z": z, "codebook": codebook}


def reference(z, codebook):
    b, n, d = z.shape
    z_flat = z.reshape(b * n, d)
    z_norm = jnp.sum(z_flat ** 2, axis=1, keepdims=True)
    e_norm = jnp.sum(codebook ** 2, axis=1)
    dot = z_flat @ codebook.T
    dist = z_norm + e_norm[None, :] - 2.0 * dot
    indices = jnp.argmin(dist, axis=1)
    indices_2d = indices.reshape(b, n)
    z_q = jnp.take(codebook, indices, axis=0).reshape(b, n, d)
    codebook_loss = jnp.mean((z_q - jax.lax.stop_gradient(z)) ** 2)
    commit_loss = COMMITMENT_COST * jnp.mean((z - jax.lax.stop_gradient(z_q)) ** 2)
    vq_loss = codebook_loss + commit_loss
    z_q_st = z + jax.lax.stop_gradient(z_q - z)
    return (z_q_st, indices_2d, vq_loss, codebook_loss, commit_loss)

if __name__ == "__main__":
    import jax
    _d = setup_inputs()
    print(jax.jit(kernel)(*tuple(_d.values())))

</pallas_src>

<mosaic_0001>
#map = affine_map<(d0, d1) -> (0, 0)>
module attributes {stable_mosaic.version = 14 : i64} {
  func.func @body(%arg0: i32, %arg1: i32, %arg2: memref<8192x32xf32, #tpu.memory_space<hbm>>, %arg3: memref<128x128xi32, #tpu.memory_space<hbm>>, %arg4: memref<16384x32xf32, #tpu.memory_space<hbm>>, %arg5: memref<16384x32xf32, #tpu.memory_space<hbm>>, %arg6: memref<4x128xi32, #tpu.memory_space<vmem>>, %arg7: memref<512x32xf32, #tpu.memory_space<vmem>>, %arg8: memref<512x32xf32, #tpu.memory_space<vmem>>, %arg9: memref<!tpu.dma_semaphore, #tpu.memory_space<semaphore_mem>>) attributes {dimension_semantics = [#tpu.dimension_semantics<core_parallel>, #tpu.dimension_semantics<subcore_parallel>], iteration_bounds = array<i64: 2, 16>, scalar_prefetch = 0 : i64, scratch_operands = 4 : i64, tpu.core_type = #tpu.core_type<sc_vector_subcore>, window_params = [{transform_indices = #map}, {transform_indices = #map}, {transform_indices = #map}, {transform_indices = #map}]} {
    %mul3A = arith.constant 2 : i32
    %mul3A_0 = arith.muli %arg1, %mul3A : i32
    %add3A = arith.addi %mul3A_0, %arg0 : i32
    %mul3A_1 = arith.constant 512 : i32
    %mul3A_2 = arith.muli %add3A, %mul3A_1 : i32
    %mul3A_3 = arith.constant 4 : i32
    %mul3A_4 = arith.muli %add3A, %mul3A_3 : i32
    "tpu.region"() ({
      %run_scoped3A = tpu.sem_alloc : memref<!tpu.dma_semaphore, #tpu.memory_space<semaphore_mem>>
      %dma_start3A_88 = arith.constant 0 : i32
      %dma_start3A_89 = tpu.memref_slice %arg3[%mul3A_4, %dma_start3A_88] : memref<128x128xi32, #tpu.memory_space<hbm>> -> memref<4x128xi32, #tpu.memory_space<hbm>>
      %dma_start3A_90 = arith.constant 0 : i32
      %dma_start3A_91 = tpu.memref_slice %arg3[%mul3A_4, %dma_start3A_90] : memref<128x128xi32, #tpu.memory_space<hbm>> -> memref<4x128xi32, #tpu.memory_space<hbm>>
      tpu.enqueue_dma source(%dma_start3A_91 : memref<4x128xi32, #tpu.memory_space<hbm>>) target(%arg6 : memref<4x128xi32, #tpu.memory_space<vmem>>) target_semaphore(%run_scoped3A : memref<!tpu.dma_semaphore, #tpu.memory_space<semaphore_mem>>)
      %dma_wait3A_92 = arith.constant 0 : i32
      %dma_wait3A_93 = tpu.memref_slice %arg3[%mul3A_4, %dma_wait3A_92] : memref<128x128xi32, #tpu.memory_space<hbm>> -> memref<4x128xi32, #tpu.memory_space<hbm>>
      %dma_wait3A_94 = arith.constant 0 : i32
      %dma_wait3A_95 = tpu.memref_slice %arg3[%mul3A_4, %dma_wait3A_94] : memref<128x128xi32, #tpu.memory_space<hbm>> -> memref<4x128xi32, #tpu.memory_space<hbm>>
      tpu.wait_dma2 semaphore(%run_scoped3A : memref<!tpu.dma_semaphore, #tpu.memory_space<semaphore_mem>>) src(%dma_wait3A_95 : memref<4x128xi32, #tpu.memory_space<hbm>>) dst(%arg6 : memref<4x128xi32, #tpu.memory_space<vmem>>)
      tpu.yield
    }) : () -> ()
    "tpu.region"() ({
      %run_scoped3A = tpu.sem_alloc : memref<!tpu.dma_semaphore, #tpu.memory_space<semaphore_mem>>
      %dma_start3A_88 = arith.constant 0 : i32
      %dma_start3A_89 = tpu.memref_slice %arg4[%mul3A_2, %dma_start3A_88] : memref<16384x32xf32, #tpu.memory_space<hbm>> -> memref<512x32xf32, #tpu.memory_space<hbm>>
      %dma_start3A_90 = arith.constant 0 : i32
      %dma_start3A_91 = tpu.memref_slice %arg4[%mul3A_2, %dma_start3A_90] : memref<16384x32xf32, #tpu.memory_space<hbm>> -> memref<512x32xf32, #tpu.memory_space<hbm>>
      tpu.enqueue_dma source(%dma_start3A_91 : memref<512x32xf32, #tpu.memory_space<hbm>>) target(%arg8 : memref<512x32xf32, #tpu.memory_space<vmem>>) target_semaphore(%run_scoped3A : memref<!tpu.dma_semaphore, #tpu.memory_space<semaphore_mem>>)
      %dma_wait3A_92 = arith.constant 0 : i32
      %dma_wait3A_93 = tpu.memref_slice %arg4[%mul3A_2, %dma_wait3A_92] : memref<16384x32xf32, #tpu.memory_space<hbm>> -> memref<512x32xf32, #tpu.memory_space<hbm>>
      %dma_wait3A_94 = arith.constant 0 : i32
      %dma_wait3A_95 = tpu.memref_slice %arg4[%mul3A_2, %dma_wait3A_94] : memref<16384x32xf32, #tpu.memory_space<hbm>> -> memref<512x32xf32, #tpu.memory_space<hbm>>
      tpu.wait_dma2 semaphore(%run_scoped3A : memref<!tpu.dma_semaphore, #tpu.memory_space<semaphore_mem>>) src(%dma_wait3A_95 : memref<512x32xf32, #tpu.memory_space<hbm>>) dst(%arg8 : memref<512x32xf32, #tpu.memory_space<vmem>>)
      tpu.yield
    }) : () -> ()
    %dma_start3A = arith.constant 0 : i32
    %dma_start3A_5 = arith.constant 0 : i32
    %dma_start3A_6 = arith.constant 0 : i32
    %dma_start3A_7 = tpu.memref_slice %arg7[%dma_start3A_5, %dma_start3A_6] : memref<512x32xf32, #tpu.memory_space<vmem>> -> memref<128x32xf32, #tpu.memory_space<vmem>>
    %dma_start3A_8 = arith.constant 0 : i32
    %dma_start3A_9 = tpu.memref_slice %arg6[%dma_start3A, %dma_start3A_8] : memref<4x128xi32, #tpu.memory_space<vmem>> -> memref<1x128xi32, #tpu.memory_space<vmem>>
    %dma_start3A_10 = tpu.memref_squeeze %dma_start3A_9 : memref<1x128xi32, #tpu.memory_space<vmem>> -> memref<128xi32, #tpu.memory_space<vmem>>
    %dma_start3A_11 = arith.constant 0 : i32
    %dma_start3A_12 = arith.constant 0 : i32
    %dma_start3A_13 = tpu.memref_slice %arg2[%dma_start3A_11, %dma_start3A_12] : memref<8192x32xf32, #tpu.memory_space<hbm>> -> memref<8192x32xf32, #tpu.memory_space<hbm>>
    tpu.enqueue_indirect_dma source(%dma_start3A_13 : memref<8192x32xf32, #tpu.memory_space<hbm>>) target(%dma_start3A_7 : memref<128x32xf32, #tpu.memory_space<vmem>>) offsets(%dma_start3A_10 : memref<128xi32, #tpu.memory_space<vmem>>) semaphore(%arg9 : memref<!tpu.dma_semaphore, #tpu.memory_space<semaphore_mem>>)
    %dma_wait3A = arith.constant 0 : i32
    %dma_wait3A_14 = arith.constant 0 : i32
    %dma_wait3A_15 = arith.constant 0 : i32
    %dma_wait3A_16 = tpu.memref_slice %arg7[%dma_wait3A_14, %dma_wait3A_15] : memref<512x32xf32, #tpu.memory_space<vmem>> -> memref<128x32xf32, #tpu.memory_space<vmem>>
    %dma_wait3A_17 = arith.constant 0 : i32
    %dma_wait3A_18 = tpu.memref_slice %arg6[%dma_wait3A, %dma_wait3A_17] : memref<4x128xi32, #tpu.memory_space<vmem>> -> memref<1x128xi32, #tpu.memory_space<vmem>>
    %dma_wait3A_19 = tpu.memref_squeeze %dma_wait3A_18 : memref<1x128xi32, #tpu.memory_space<vmem>> -> memref<128xi32, #tpu.memory_space<vmem>>
    %dma_wait3A_20 = arith.constant 0 : i32
    %dma_wait3A_21 = arith.constant 0 : i32
    %dma_wait3A_22 = tpu.memref_slice %arg2[%dma_wait3A_20, %dma_wait3A_21] : memref<8192x32xf32, #tpu.memory_space<hbm>> -> memref<8192x32xf32, #tpu.memory_space<hbm>>
    tpu.wait_indirect_dma semaphore(%arg9 : memref<!tpu.dma_semaphore, #tpu.memory_space<semaphore_mem>>) src(%dma_wait3A_22 : memref<8192x32xf32, #tpu.memory_space<hbm>>) dst(%dma_wait3A_16 : memref<128x32xf32, #tpu.memory_space<vmem>>)
    %dma_start3A_23 = arith.constant 1 : i32
    %dma_start3A_24 = arith.constant 128 : i32
    %dma_start3A_25 = arith.constant 0 : i32
    %dma_start3A_26 = tpu.memref_slice %arg7[%dma_start3A_24, %dma_start3A_25] : memref<512x32xf32, #tpu.memory_space<vmem>> -> memref<128x32xf32, #tpu.memory_space<vmem>>
    %dma_start3A_27 = arith.constant 0 : i32
    %dma_start3A_28 = tpu.memref_slice %arg6[%dma_start3A_23, %dma_start3A_27] : memref<4x128xi32, #tpu.memory_space<vmem>> -> memref<1x128xi32, #tpu.memory_space<vmem>>
    %dma_start3A_29 = tpu.memref_squeeze %dma_start3A_28 : memref<1x128xi32, #tpu.memory_space<vmem>> -> memref<128xi32, #tpu.memory_space<vmem>>
    %dma_start3A_30 = arith.constant 0 : i32
    %dma_start3A_31 = arith.constant 0 : i32
    %dma_start3A_32 = tpu.memref_slice %arg2[%dma_start3A_30, %dma_start3A_31] : memref<8192x32xf32, #tpu.memory_space<hbm>> -> memref<8192x32xf32, #tpu.memory_space<hbm>>
    tpu.enqueue_indirect_dma source(%dma_start3A_32 : memref<8192x32xf32, #tpu.memory_space<hbm>>) target(%dma_start3A_26 : memref<128x32xf32, #tpu.memory_space<vmem>>) offsets(%dma_start3A_29 : memref<128xi32, #tpu.memory_space<vmem>>) semaphore(%arg9 : memref<!tpu.dma_semaphore, #tpu.memory_space<semaphore_mem>>)
    %dma_wait3A_33 = arith.constant 1 : i32
    %dma_wait3A_34 = arith.constant 128 : i32
    %dma_wait3A_35 = arith.constant 0 : i32
    %dma_wait3A_36 = tpu.memref_slice %arg7[%dma_wait3A_34, %dma_wait3A_35] : memref<512x32xf32, #tpu.memory_space<vmem>> -> memref<128x32xf32, #tpu.memory_space<vmem>>
    %dma_wait3A_37 = arith.constant 0 : i32
    %dma_wait3A_38 = tpu.memref_slice %arg6[%dma_wait3A_33, %dma_wait3A_37] : memref<4x128xi32, #tpu.memory_space<vmem>> -> memref<1x128xi32, #tpu.memory_space<vmem>>
    %dma_wait3A_39 = tpu.memref_squeeze %dma_wait3A_38 : memref<1x128xi32, #tpu.memory_space<vmem>> -> memref<128xi32, #tpu.memory_space<vmem>>
    %dma_wait3A_40 = arith.constant 0 : i32
    %dma_wait3A_41 = arith.constant 0 : i32
    %dma_wait3A_42 = tpu.memref_slice %arg2[%dma_wait3A_40, %dma_wait3A_41] : memref<8192x32xf32, #tpu.memory_space<hbm>> -> memref<8192x32xf32, #tpu.memory_space<hbm>>
    tpu.wait_indirect_dma semaphore(%arg9 : memref<!tpu.dma_semaphore, #tpu.memory_space<semaphore_mem>>) src(%dma_wait3A_42 : memref<8192x32xf32, #tpu.memory_space<hbm>>) dst(%dma_wait3A_36 : memref<128x32xf32, #tpu.memory_space<vmem>>)
    %dma_start3A_43 = arith.constant 2 : i32
    %dma_start3A_44 = arith.constant 256 : i32
    %dma_start3A_45 = arith.constant 0 : i32
    %dma_start3A_46 = tpu.memref_slice %arg7[%dma_start3A_44, %dma_start3A_45] : memref<512x32xf32, #tpu.memory_space<vmem>> -> memref<128x32xf32, #tpu.memory_space<vmem>>
    %dma_start3A_47 = arith.constant 0 : i32
    %dma_start3A_48 = tpu.memref_slice %arg6[%dma_start3A_43, %dma_start3A_47] : memref<4x128xi32, #tpu.memory_space<vmem>> -> memref<1x128xi32, #tpu.memory_space<vmem>>
    %dma_start3A_49 = tpu.memref_squeeze %dma_start3A_48 : memref<1x128xi32, #tpu.memory_space<vmem>> -> memref<128xi32, #tpu.memory_space<vmem>>
    %dma_start3A_50 = arith.constant 0 : i32
    %dma_start3A_51 = arith.constant 0 : i32
    %dma_start3A_52 = tpu.memref_slice %arg2[%dma_start3A_50, %dma_start3A_51] : memref<8192x32xf32, #tpu.memory_space<hbm>> -> memref<8192x32xf32, #tpu.memory_space<hbm>>
    tpu.enqueue_indirect_dma source(%dma_start3A_52 : memref<8192x32xf32, #tpu.memory_space<hbm>>) target(%dma_start3A_46 : memref<128x32xf32, #tpu.memory_space<vmem>>) offsets(%dma_start3A_49 : memref<128xi32, #tpu.memory_space<vmem>>) semaphore(%arg9 : memref<!tpu.dma_semaphore, #tpu.memory_space<semaphore_mem>>)
    %dma_wait3A_53 = arith.constant 2 : i32
    %dma_wait3A_54 = arith.constant 256 : i32
    %dma_wait3A_55 = arith.constant 0 : i32
    %dma_wait3A_56 = tpu.memref_slice %arg7[%dma_wait3A_54, %dma_wait3A_55] : memref<512x32xf32, #tpu.memory_space<vmem>> -> memref<128x32xf32, #tpu.memory_space<vmem>>
    %dma_wait3A_57 = arith.constant 0 : i32
    %dma_wait3A_58 = tpu.memref_slice %arg6[%dma_wait3A_53, %dma_wait3A_57] : memref<4x128xi32, #tpu.memory_space<vmem>> -> memref<1x128xi32, #tpu.memory_space<vmem>>
    %dma_wait3A_59 = tpu.memref_squeeze %dma_wait3A_58 : memref<1x128xi32, #tpu.memory_space<vmem>> -> memref<128xi32, #tpu.memory_space<vmem>>
    %dma_wait3A_60 = arith.constant 0 : i32
    %dma_wait3A_61 = arith.constant 0 : i32
    %dma_wait3A_62 = tpu.memref_slice %arg2[%dma_wait3A_60, %dma_wait3A_61] : memref<8192x32xf32, #tpu.memory_space<hbm>> -> memref<8192x32xf32, #tpu.memory_space<hbm>>
    tpu.wait_indirect_dma semaphore(%arg9 : memref<!tpu.dma_semaphore, #tpu.memory_space<semaphore_mem>>) src(%dma_wait3A_62 : memref<8192x32xf32, #tpu.memory_space<hbm>>) dst(%dma_wait3A_56 : memref<128x32xf32, #tpu.memory_space<vmem>>)
    %dma_start3A_63 = arith.constant 3 : i32
    %dma_start3A_64 = arith.constant 384 : i32
    %dma_start3A_65 = arith.constant 0 : i32
    %dma_start3A_66 = tpu.memref_slice %arg7[%dma_start3A_64, %dma_start3A_65] : memref<512x32xf32, #tpu.memory_space<vmem>> -> memref<128x32xf32, #tpu.memory_space<vmem>>
    %dma_start3A_67 = arith.constant 0 : i32
    %dma_start3A_68 = tpu.memref_slice %arg6[%dma_start3A_63, %dma_start3A_67] : memref<4x128xi32, #tpu.memory_space<vmem>> -> memref<1x128xi32, #tpu.memory_space<vmem>>
    %dma_start3A_69 = tpu.memref_squeeze %dma_start3A_68 : memref<1x128xi32, #tpu.memory_space<vmem>> -> memref<128xi32, #tpu.memory_space<vmem>>
    %dma_start3A_70 = arith.constant 0 : i32
    %dma_start3A_71 = arith.constant 0 : i32
    %dma_start3A_72 = tpu.memref_slice %arg2[%dma_start3A_70, %dma_start3A_71] : memref<8192x32xf32, #tpu.memory_space<hbm>> -> memref<8192x32xf32, #tpu.memory_space<hbm>>
    tpu.enqueue_indirect_dma source(%dma_start3A_72 : memref<8192x32xf32, #tpu.memory_space<hbm>>) target(%dma_start3A_66 : memref<128x32xf32, #tpu.memory_space<vmem>>) offsets(%dma_start3A_69 : memref<128xi32, #tpu.memory_space<vmem>>) semaphore(%arg9 : memref<!tpu.dma_semaphore, #tpu.memory_space<semaphore_mem>>)
    %dma_wait3A_73 = arith.constant 3 : i32
    %dma_wait3A_74 = arith.constant 384 : i32
    %dma_wait3A_75 = arith.constant 0 : i32
    %dma_wait3A_76 = tpu.memref_slice %arg7[%dma_wait3A_74, %dma_wait3A_75] : memref<512x32xf32, #tpu.memory_space<vmem>> -> memref<128x32xf32, #tpu.memory_space<vmem>>
    %dma_wait3A_77 = arith.constant 0 : i32
    %dma_wait3A_78 = tpu.memref_slice %arg6[%dma_wait3A_73, %dma_wait3A_77] : memref<4x128xi32, #tpu.memory_space<vmem>> -> memref<1x128xi32, #tpu.memory_space<vmem>>
    %dma_wait3A_79 = tpu.memref_squeeze %dma_wait3A_78 : memref<1x128xi32, #tpu.memory_space<vmem>> -> memref<128xi32, #tpu.memory_space<vmem>>
    %dma_wait3A_80 = arith.constant 0 : i32
    %dma_wait3A_81 = arith.constant 0 : i32
    %dma_wait3A_82 = tpu.memref_slice %arg2[%dma_wait3A_80, %dma_wait3A_81] : memref<8192x32xf32, #tpu.memory_space<hbm>> -> memref<8192x32xf32, #tpu.memory_space<hbm>>
    tpu.wait_indirect_dma semaphore(%arg9 : memref<!tpu.dma_semaphore, #tpu.memory_space<semaphore_mem>>) src(%dma_wait3A_82 : memref<8192x32xf32, #tpu.memory_space<hbm>>) dst(%dma_wait3A_76 : memref<128x32xf32, #tpu.memory_space<vmem>>)
    %scan3A = arith.constant 0 : i32
    %scan3A_83 = arith.constant 0 : i32
    %scan3A_84 = arith.constant 512 : i32
    %scan3A_85 = arith.addi %scan3A_83, %scan3A_84 : i32
    %scan3A_86 = arith.constant 1 : i32
    scf.for %scan3A_88 = %scan3A_83 to %scan3A_85 step %scan3A_86  : i32 {
      %get3A = arith.index_cast %scan3A_88 : i32 to index
      %get3A_89 = arith.constant 0 : index
      %get3A_90 = tpu.vector_load %arg8[%get3A, %get3A_89] {strides = array<i32>} : memref<512x32xf32, #tpu.memory_space<vmem>>, vector<1x16xf32>,
      %get3A_91 = vector.shape_cast %get3A_90 : vector<1x16xf32> to vector<16xf32>
      %get3A_92 = arith.index_cast %scan3A_88 : i32 to index
      %get3A_93 = arith.constant 0 : index
      %get3A_94 = tpu.vector_load %arg7[%get3A_92, %get3A_93] {strides = array<i32>} : memref<512x32xf32, #tpu.memory_space<vmem>>, vector<1x16xf32>,
      %get3A_95 = vector.shape_cast %get3A_94 : vector<1x16xf32> to vector<16xf32>
      %sub3A = arith.subf %get3A_95, %get3A_91 : vector<16xf32>
      %add3A_96 = arith.addf %get3A_91, %sub3A : vector<16xf32>
      %swap3A = arith.index_cast %scan3A_88 : i32 to index
      %swap3A_97 = arith.constant 0 : index
      %swap3A_98 = tpu.vector_load %arg7[%swap3A, %swap3A_97] {strides = array<i32>} : memref<512x32xf32, #tpu.memory_space<vmem>>, vector<1x16xf32>,
      %swap3A_99 = vector.shape_cast %swap3A_98 : vector<1x16xf32> to vector<16xf32>
      %swap3A_100 = vector.shape_cast %add3A_96 : vector<16xf32> to vector<1x16xf32>
      tpu.vector_store %arg7[%swap3A, %swap3A_97], %swap3A_100 {strides = array<i32>} : memref<512x32xf32, #tpu.memory_space<vmem>>, vector<1x16xf32>,
      %get3A_101 = arith.index_cast %scan3A_88 : i32 to index
      %get3A_102 = arith.constant 16 : index
      %get3A_103 = tpu.vector_load %arg8[%get3A_101, %get3A_102] {strides = array<i32>} : memref<512x32xf32, #tpu.memory_space<vmem>>, vector<1x16xf32>,
      %get3A_104 = vector.shape_cast %get3A_103 : vector<1x16xf32> to vector<16xf32>
      %get3A_105 = arith.index_cast %scan3A_88 : i32 to index
      %get3A_106 = arith.constant 16 : index
      %get3A_107 = tpu.vector_load %arg7[%get3A_105, %get3A_106] {strides = array<i32>} : memref<512x32xf32, #tpu.memory_space<vmem>>, vector<1x16xf32>,
      %get3A_108 = vector.shape_cast %get3A_107 : vector<1x16xf32> to vector<16xf32>
      %sub3A_109 = arith.subf %get3A_108, %get3A_104 : vector<16xf32>
      %add3A_110 = arith.addf %get3A_104, %sub3A_109 : vector<16xf32>
      %swap3A_111 = arith.index_cast %scan3A_88 : i32 to index
      %swap3A_112 = arith.constant 16 : index
      %swap3A_113 = tpu.vector_load %arg7[%swap3A_111, %swap3A_112] {strides = array<i32>} : memref<512x32xf32, #tpu.memory_space<vmem>>, vector<1x16xf32>,
      %swap3A_114 = vector.shape_cast %swap3A_113 : vector<1x16xf32> to vector<16xf32>
      %swap3A_115 = vector.shape_cast %add3A_110 : vector<16xf32> to vector<1x16xf32>
      tpu.vector_store %arg7[%swap3A_111, %swap3A_112], %swap3A_115 {strides = array<i32>} : memref<512x32xf32, #tpu.memory_space<vmem>>, vector<1x16xf32>,
    }
    %scan3A_87 = arith.constant 512 : i32
    "tpu.region"() ({
      %run_scoped3A = tpu.sem_alloc : memref<!tpu.dma_semaphore, #tpu.memory_space<semaphore_mem>>
      %dma_start3A_88 = arith.constant 0 : i32
      %dma_start3A_89 = tpu.memref_slice %arg5[%mul3A_2, %dma_start3A_88] : memref<16384x32xf32, #tpu.memory_space<hbm>> -> memref<512x32xf32, #tpu.memory_space<hbm>>
      %dma_start3A_90 = arith.constant 0 : i32
      %dma_start3A_91 = tpu.memref_slice %arg5[%mul3A_2, %dma_start3A_90] : memref<16384x32xf32, #tpu.memory_space<hbm>> -> memref<512x32xf32, #tpu.memory_space<hbm>>
      tpu.enqueue_dma source(%arg7 : memref<512x32xf32, #tpu.memory_space<vmem>>) target(%dma_start3A_91 : memref<512x32xf32, #tpu.memory_space<hbm>>) target_semaphore(%run_scoped3A : memref<!tpu.dma_semaphore, #tpu.memory_space<semaphore_mem>>)
      %dma_wait3A_92 = arith.constant 0 : i32
      %dma_wait3A_93 = tpu.memref_slice %arg5[%mul3A_2, %dma_wait3A_92] : memref<16384x32xf32, #tpu.memory_space<hbm>> -> memref<512x32xf32, #tpu.memory_space<hbm>>
      %dma_wait3A_94 = arith.constant 0 : i32
      %dma_wait3A_95 = tpu.memref_slice %arg5[%mul3A_2, %dma_wait3A_94] : memref<16384x32xf32, #tpu.memory_space<hbm>> -> memref<512x32xf32, #tpu.memory_space<hbm>>
      tpu.wait_dma2 semaphore(%run_scoped3A : memref<!tpu.dma_semaphore, #tpu.memory_space<semaphore_mem>>) src(%arg7 : memref<512x32xf32, #tpu.memory_space<vmem>>) dst(%dma_wait3A_95 : memref<512x32xf32, #tpu.memory_space<hbm>>)
      tpu.yield
    }) : () -> ()
    return
  }
}

module attributes {stable_mosaic.version = 14 : i64} {
  func.func @_dist_argmin_body(%arg0: i32, %arg1: i32, %arg2: memref<1024x32xf32, #tpu.memory_space<vmem>>, %arg3: memref<32x4096xf32, #tpu.memory_space<vmem>>, %arg4: memref<1024x1xf32, #tpu.memory_space<vmem>>, %arg5: memref<1x4096xf32, #tpu.memory_space<vmem>>, %arg6: memref<1x1024x1xi32, #tpu.memory_space<vmem>>, %arg7: memref<1x1xf32, #tpu.memory_space<smem>>, %arg8: memref<1024x1xbf16, #tpu.memory_space<vmem>>, %arg9: memref<1024x1xi32, #tpu.memory_space<vmem>>, %arg10: memref<1024x1xf32, #tpu.memory_space<vmem>>) attributes {dimension_semantics = [#tpu.dimension_semantics<arbitrary>, #tpu.dimension_semantics<arbitrary>], iteration_bounds = array<i64: 16, 2>, scalar_prefetch = 0 : i64, scratch_operands = 3 : i64, tpu.core_type = #tpu.core_type<tc>, window_params = [{transform_indices = @transform_0, window_bounds = array<i64: 1024, 32>}, {transform_indices = @transform_1, window_bounds = array<i64: 32, 4096>}, {transform_indices = @transform_2, window_bounds = array<i64: 1024, 1>}, {transform_indices = @transform_3, window_bounds = array<i64: 1, 4096>}, {transform_indices = @transform_4, window_bounds = array<i64: 1, 1024, 1>}, {transform_indices = @transform_5, window_bounds = array<i64: 1, 1>}]} {
    %get3A = arith.constant 0 : index
    %get3A_0 = arith.constant 0 : index
    %get3A_1 = vector.load %arg2[%get3A, %get3A_0] : memref<1024x32xf32, #tpu.memory_space<vmem>>, vector<1024x32xf32>
    %get3A_2 = arith.constant 0 : index
    %get3A_3 = arith.constant 0 : index
    %get3A_4 = vector.load %arg3[%get3A_2, %get3A_3] : memref<32x4096xf32, #tpu.memory_space<vmem>>, vector<32x4096xf32>
    %get3A_5 = arith.constant 0 : index
    %get3A_6 = arith.constant 0 : index
    %get3A_7 = vector.load %arg4[%get3A_5, %get3A_6] : memref<1024x1xf32, #tpu.memory_space<vmem>>, vector<1024x1xf32>
    %get3A_8 = arith.constant 0 : index
    %get3A_9 = arith.constant 0 : index
    %get3A_10 = vector.load %arg5[%get3A_8, %get3A_9] : memref<1x4096xf32, #tpu.memory_space<vmem>>, vector<1x4096xf32>
    %dot_general3A = arith.constant dense<0.000000e+00> : vector<1024x4096xf32>
    %dot_general3A_11 = tpu.matmul %get3A_1, %get3A_4, %dot_general3A {dimension_numbers = #tpu.dot_dimension_numbers<[1], [0], [0], [1], [0, 0, 1, 1], [], []>, transpose_lhs_hint = false} : vector<1024x32xf32>, vector<32x4096xf32>, vector<1024x4096xf32> -> vector<1024x4096xf32>
    %add3A = vector.broadcast %get3A_7 : vector<1024x1xf32> to vector<1024x4096xf32>
    %add3A_12 = vector.broadcast %get3A_10 : vector<1x4096xf32> to vector<1024x4096xf32>
    %add3A_13 = arith.addf %add3A, %add3A_12 : vector<1024x4096xf32>
    %mul3A = arith.constant 2.000000e+00 : f32
    %mul3A_14 = vector.broadcast %mul3A : f32 to vector<1024x4096xf32>
    %mul3A_15 = arith.mulf %mul3A_14, %dot_general3A_11 : vector<1024x4096xf32>
    %sub3A = arith.subf %add3A_13, %mul3A_15 : vector<1024x4096xf32>
    %reduce_min3A = arith.constant dense<0x7F800000> : vector<1024xf32>
    %reduce_min3A_16 = vector.multi_reduction <minimumf>, %sub3A, %reduce_min3A [1] : vector<1024x4096xf32> to vector<1024xf32>
    %broadcast_in_dim3A = vector.shape_cast %reduce_min3A_16 : vector<1024xf32> to vector<1024x1xf32>
    %iota3A = tpu.iota {dimensions = array<i32: 1>} : vector<1024x4096xi32>
    %eq3A = vector.broadcast %broadcast_in_dim3A : vector<1024x1xf32> to vector<1024x4096xf32>
    %eq3A_17 = arith.cmpf oeq, %sub3A, %eq3A : vector<1024x4096xf32>
    %jit3A = arith.constant 4096 : i32
    %broadcast_in_dim3A_18 = vector.broadcast %jit3A : i32 to vector<1024x4096xi32>
    %select_n3A = arith.select %eq3A_17, %iota3A, %broadcast_in_dim3A_18 : vector<1024x4096xi1>, vector<1024x4096xi32>
    %reduce_min3A_19 = arith.constant dense<2147483647> : vector<1024xi32>
    %reduce_min3A_20 = vector.multi_reduction <minsi>, %select_n3A, %reduce_min3A_19 [1] : vector<1024x4096xi32> to vector<1024xi32>
    %broadcast_in_dim3A_21 = vector.shape_cast %reduce_min3A_20 : vector<1024xi32> to vector<1024x1xi32>
    %mul3A_22 = arith.constant 4096 : i32
    %mul3A_23 = arith.muli %arg1, %mul3A_22 : i32
    %add3A_24 = vector.broadcast %mul3A_23 : i32 to vector<1024x1xi32>
    %add3A_25 = arith.addi %broadcast_in_dim3A_21, %add3A_24 : vector<1024x1xi32>
    %eq3A_26 = arith.constant 0 : i32
    %eq3A_27 = arith.cmpi eq, %arg1, %eq3A_26 : i32
    %convert_element_type3A = arith.extui %eq3A_27 : i1 to i32
    %cond3A = arith.constant 0 : i32
    %cond3A_28 = arith.cmpi ne, %convert_element_type3A, %cond3A : i32
    scf.if %cond3A_28 {
      %broadcast_in_dim3A_56 = arith.constant 0x7F80 : bf16
      %broadcast_in_dim3A_57 = vector.broadcast %broadcast_in_dim3A_56 : bf16 to vector<1024x1xbf16>
      %swap3A_58 = arith.constant 0 : index
      %swap3A_59 = arith.constant 0 : index
      %swap3A_60 = vector.load %arg8[%swap3A_58, %swap3A_59] : memref<1024x1xbf16, #tpu.memory_space<vmem>>, vector<1024x1xbf16>
      tpu.vector_store %arg8[%swap3A_58, %swap3A_59], %broadcast_in_dim3A_57 {strides = array<i32>} : memref<1024x1xbf16, #tpu.memory_space<vmem>>, vector<1024x1xbf16>,
      %broadcast_in_dim3A_61 = arith.constant 0 : i32
      %broadcast_in_dim3A_62 = vector.broadcast %broadcast_in_dim3A_61 : i32 to vector<1024x1xi32>
      %swap3A_63 = arith.constant 0 : index
      %swap3A_64 = arith.constant 0 : index
      %swap3A_65 = vector.load %arg9[%swap3A_63, %swap3A_64] : memref<1024x1xi32, #tpu.memory_space<vmem>>, vector<1024x1xi32>
      tpu.vector_store %arg9[%swap3A_63, %swap3A_64], %broadcast_in_dim3A_62 {strides = array<i32>} : memref<1024x1xi32, #tpu.memory_space<vmem>>, vector<1024x1xi32>,
      %broadcast_in_dim3A_66 = arith.constant 0.000000e+00 : f32
      %broadcast_in_dim3A_67 = vector.broadcast %broadcast_in_dim3A_66 : f32 to vector<1024x1xf32>
      %swap3A_68 = arith.constant 0 : index
      %swap3A_69 = arith.constant 0 : index
      %swap3A_70 = vector.load %arg10[%swap3A_68, %swap3A_69] : memref<1024x1xf32, #tpu.memory_space<vmem>>, vector<1024x1xf32>
      tpu.vector_store %arg10[%swap3A_68, %swap3A_69], %broadcast_in_dim3A_67 {strides = array<i32>} : memref<1024x1xf32, #tpu.memory_space<vmem>>, vector<1024x1xf32>,
    } else {
    }
    %get3A_29 = arith.constant 0 : index
    %get3A_30 = arith.constant 0 : index
    %get3A_31 = vector.load %arg8[%get3A_29, %get3A_30] : memref<1024x1xbf16, #tpu.memory_space<vmem>>, vector<1024x1xbf16>
    %convert_element_type3A_32 = arith.extf %get3A_31 : vector<1024x1xbf16> to vector<1024x1xf32>
    %le3A = arith.cmpf ole, %convert_element_type3A_32, %broadcast_in_dim3A : vector<1024x1xf32>
    %get3A_33 = arith.constant 0 : index
    %get3A_34 = arith.constant 0 : index
    %get3A_35 = vector.load %arg9[%get3A_33, %get3A_34] : memref<1024x1xi32, #tpu.memory_space<vmem>>, vector<1024x1xi32>
    %select_n3A_36 = arith.select %le3A, %get3A_35, %add3A_25 : vector<1024x1xi1>, vector<1024x1xi32>
    %swap3A = arith.constant 0 : index
    %swap3A_37 = arith.constant 0 : index
    %swap3A_38 = vector.load %arg9[%swap3A, %swap3A_37] : memref<1024x1xi32, #tpu.memory_space<vmem>>, vector<1024x1xi32>
    tpu.vector_store %arg9[%swap3A, %swap3A_37], %select_n3A_36 {strides = array<i32>} : memref<1024x1xi32, #tpu.memory_space<vmem>>, vector<1024x1xi32>,
    %get3A_39 = arith.constant 0 : index
    %get3A_40 = arith.constant 0 : index
    %get3A_41 = vector.load %arg10[%get3A_39, %get3A_40] : memref<1024x1xf32, #tpu.memory_space<vmem>>, vector<1024x1xf32>
    %select_n3A_42 = arith.select %le3A, %get3A_41, %broadcast_in_dim3A : vector<1024x1xi1>, vector<1024x1xf32>
    %swap3A_43 = arith.constant 0 : index
    %swap3A_44 = arith.constant 0 : index
    %swap3A_45 = vector.load %arg10[%swap3A_43, %swap3A_44] : memref<1024x1xf32, #tpu.memory_space<vmem>>, vector<1024x1xf32>
    tpu.vector_store %arg10[%swap3A_43, %swap3A_44], %select_n3A_42 {strides = array<i32>} : memref<1024x1xf32, #tpu.memory_space<vmem>>, vector<1024x1xf32>,
    %select_n3A_46 = arith.select %le3A, %convert_element_type3A_32, %broadcast_in_dim3A : vector<1024x1xi1>, vector<1024x1xf32>
    %convert_element_type3A_47 = arith.truncf %select_n3A_46 : vector<1024x1xf32> to vector<1024x1xbf16>
    %swap3A_48 = arith.constant 0 : index
    %swap3A_49 = arith.constant 0 : index
    %swap3A_50 = vector.load %arg8[%swap3A_48, %swap3A_49] : memref<1024x1xbf16, #tpu.memory_space<vmem>>, vector<1024x1xbf16>
    tpu.vector_store %arg8[%swap3A_48, %swap3A_49], %convert_element_type3A_47 {strides = array<i32>} : memref<1024x1xbf16, #tpu.memory_space<vmem>>, vector<1024x1xbf16>,
    %eq3A_51 = arith.constant 1 : i32
    %eq3A_52 = arith.cmpi eq, %arg1, %eq3A_51 : i32
    %convert_element_type3A_53 = arith.extui %eq3A_52 : i1 to i32
    %cond3A_54 = arith.constant 0 : i32
    %cond3A_55 = arith.cmpi ne, %convert_element_type3A_53, %cond3A_54 : i32
    scf.if %cond3A_55 {
      %get3A_56 = arith.constant 0 : index
      %get3A_57 = arith.constant 0 : index
      %get3A_58 = vector.load %arg9[%get3A_56, %get3A_57] : memref<1024x1xi32, #tpu.memory_space<vmem>>, vector<1024x1xi32>
      %reshape3A = vector.shape_cast %get3A_58 : vector<1024x1xi32> to vector<1x1024x1xi32>
      %swap3A_59 = arith.constant 0 : index
      %swap3A_60 = arith.constant 0 : index
      %swap3A_61 = arith.constant 0 : index
      %swap3A_62 = vector.load %arg6[%swap3A_59, %swap3A_60, %swap3A_61] : memref<1x1024x1xi32, #tpu.memory_space<vmem>>, vector<1x1024x1xi32>
      tpu.vector_store %arg6[%swap3A_59, %swap3A_60, %swap3A_61], %reshape3A {strides = array<i32>} : memref<1x1024x1xi32, #tpu.memory_space<vmem>>, vector<1x1024x1xi32>,
      %get3A_63 = arith.constant 0 : index
      %get3A_64 = arith.constant 0 : index
      %get3A_65 = vector.load %arg10[%get3A_63, %get3A_64] : memref<1024x1xf32, #tpu.memory_space<vmem>>, vector<1024x1xf32>
      %reduce_sum3A = vector.shape_cast %get3A_65 : vector<1024x1xf32> to vector<1x1024x1xf32>
      %reduce_sum3A_66 = arith.constant dense<0.000000e+00> : vector<1xf32>
      %reduce_sum3A_67 = vector.multi_reduction <add>, %reduce_sum3A, %reduce_sum3A_66 [1, 2] : vector<1x1024x1xf32> to vector<1xf32>
      %reduce_sum3A_68 = vector.shape_cast %reduce_sum3A_67 : vector<1xf32> to vector<1x1x1xf32>
      %reduce_sum3A_69 = vector.extract %reduce_sum3A_68[0, 0, 0] : f32 from vector<1x1x1xf32>
      %eq3A_70 = arith.constant 0 : i32
      %eq3A_71 = arith.cmpi eq, %arg0, %eq3A_70 : i32
      %convert_element_type3A_72 = arith.extui %eq3A_71 : i1 to i32
      %cond3A_73 = arith.constant 0 : i32
      %cond3A_74 = arith.cmpi ne, %convert_element_type3A_72, %cond3A_73 : i32
      scf.if %cond3A_74 {
        %swap3A_79 = arith.constant 0 : index
        %swap3A_80 = arith.constant 0 : index
        %swap3A_81 = memref.load %arg7[%swap3A_79, %swap3A_80] : memref<1x1xf32, #tpu.memory_space<smem>>
        memref.store %reduce_sum3A_69, %arg7[%swap3A_79, %swap3A_80] : memref<1x1xf32, #tpu.memory_space<smem>>
      } else {
      }
      %gt3A = arith.constant 0 : i32
      %gt3A_75 = arith.cmpi sgt, %arg0, %gt3A : i32
      %convert_element_type3A_76 = arith.extui %gt3A_75 : i1 to i32
      %cond3A_77 = arith.constant 0 : i32
      %cond3A_78 = arith.cmpi ne, %convert_element_type3A_76, %cond3A_77 : i32
      scf.if %cond3A_78 {
        %get3A_79 = arith.constant 0 : index
        %get3A_80 = arith.constant 0 : index
        %get3A_81 = memref.load %arg7[%get3A_79, %get3A_80] : memref<1x1xf32, #tpu.memory_space<smem>>
        %add3A_82 = arith.addf %get3A_81, %reduce_sum3A_69 : f32
        %swap3A_83 = arith.constant 0 : index
        %swap3A_84 = arith.constant 0 : index
        %swap3A_85 = memref.load %arg7[%swap3A_83, %swap3A_84] : memref<1x1xf32, #tpu.memory_space<smem>>
        memref.store %add3A_82, %arg7[%swap3A_83, %swap3A_84] : memref<1x1xf32, #tpu.memory_space<smem>>
      } else {
      }
    } else {
    }
    return
  }
  func.func @transform_0(%arg0: i32, %arg1: i32) -> (i32, i32) {
    %c0_i32 = arith.constant 0 : i32
    %c0_i32_0 = arith.constant 0 : i32
    return %arg0, %c0_i32 : i32, i32
  }
  func.func @transform_1(%arg0: i32, %arg1: i32) -> (i32, i32) {
    %c0_i32 = arith.constant 0 : i32
    %c0_i32_0 = arith.constant 0 : i32
    return %c0_i32, %arg1 : i32, i32
  }
  func.func @transform_2(%arg0: i32, %arg1: i32) -> (i32, i32) {
    %c0_i32 = arith.constant 0 : i32
    %c0_i32_0 = arith.constant 0 : i32
    return %arg0, %c0_i32 : i32, i32
  }
  func.func @transform_3(%arg0: i32, %arg1: i32) -> (i32, i32) {
    %c0_i32 = arith.constant 0 : i32
    %c0_i32_0 = arith.constant 0 : i32
    return %c0_i32, %arg1 : i32, i32
  }
  func.func @transform_4(%arg0: i32, %arg1: i32) -> (i32, i32, i32) {
    %c0_i32 = arith.constant 0 : i32
    %c0_i32_0 = arith.constant 0 : i32
    %c0_i32_1 = arith.constant 0 : i32
    return %arg0, %c0_i32, %c0_i32_0 : i32, i32, i32
  }
  func.func @transform_5(%arg0: i32, %arg1: i32) -> (i32, i32) {
    %c0_i32 = arith.constant 0 : i32
    %c0_i32_0 = arith.constant 0 : i32
    %c0_i32_1 = arith.constant 0 : i32
    return %c0_i32, %c0_i32_0 : i32, i32
  }
}

</mosaic_0001>

<sc_bundles>
// kernel: kernel.4.cloned.1.call-start
scs
__scs_entry_jumppad:
0x0: {  	(pc) =	sbr.rel $0x88, $3  }
0x1: {  	(tag) =	ssettag $0x0;
	lr =	simm.s32 $0x1  }
0x2: {  	[smem:$0x3F9F] =	sst lr;
	_ =	strace $0xD0000000  }
0x3: {  	_ = 	snop  }
0x4: {  	_ = 	snop  }
0x5: {  	_ = 	snop  }
0x6: {  	_ = 	snop  }
0x7: {  	_ = 	snop  }
__scs_overlays_trampoline_lowered:
0x8: {  	[smem:$0x3FAE] =	sst s0  }
0x9: {  	[smem:$0x3FAF] =	sst s1  }
0xa: {  	[smem:$0x3FB0] =	sst s2  }
0xb: {  	[smem:$0x3FB1] =	sst s3  }
0xc: {  	[smem:$0x3FB2] =	sst s4  }
0xd: {  	[smem:$0x3FB3] =	sst s5  }
0xe: {  	[smem:$0x3FB4] =	sst s6  }
0xf: {  	[smem:$0x3FB5] =	sst s7  }
0x10: {  	[smem:$0x3FB6] =	sst s8  }
0x11: {  	[smem:$0x3FB7] =	sst s9;
	s0 =	simm.s32 @!p0 $0x0  }
0x12: {  	s1 =	sld [smem:$0x3F9D];
	s0 =	simm.s32 @p0 $0x1  }
0x13: {  	[smem:$0x3FB8] =	sst s0;
	s0 =	simm.s32 @!p1 $0x0  }
0x14: {  	s2 =	sld [smem:$0x3F9C];
	s0 =	simm.s32 @p1 $0x1  }
0x15: {  	[smem:$0x3FB9] =	sst s0;
	s0 =	simm.s32 @!p2 $0x0  }
0x16: {  	s3 =	sld [smem:$0x3FDB];
	s0 =	simm.s32 @p2 $0x1  }
0x17: {  	s4 =	simm.s32 $0x1BF5;
	[smem:$0x3FBB] =	sst s0  }
0x18: {  	s0 =	sld [smem:$0x3F9E];
	_ =	swait.ge [sflag:s4], $0x0  }
0x19: {  	s7 =	sld [smem:$0x3F9F]  }
0x1a: {  	s8 =	sadd.s32 $0xFFFFE003, lr  }
0x1b: {  	s9 =	sadd.s32 $0xFFFFFEF7, lr;
	s5 =	simm.s32 $0xFFFFFFFF;
	p2 =	slt.u32 s8, $0xFFFFF086  }
0x1c: {  	p1 =	slt.u32 s9, $0xF7A;
	s5 =	simm.s32 @!p2 $0x0  }
0x1d: {  	s5 =	simm.s32 @p1 $0x1;
	p0 =	seq.s32 s7, s2  }
0x1e: {  	s7 =	smul.u32 @!p0 $0xF7A, s2;
	p2 =	seq.s32 @!p0 s5, $0x0  }
0x1f: {  	s9 =	smul.u32 $0xF7A, s1;
	s8 =	simm.s32 @!p0 $0x1BF5;
	p2 =	por !p2, p0  }
0x20: {  	[sflag:s8] =	ssyncset.s32 @!p0 $0xFFFFF086;
	s6 =	sadd.s32 @!p0 s3, s7;
	s7 =	simm.s32 @!p0 $0x108  }
0x21: {  	s3 =	sadd.s32 s3, s9;
	s6 =	sadd.s32 @!p0 $0x88, s6;
	s7 =	simm.s32 @p2 $0x1082  }
0x22: {  	[simem:s7], [sflag:s8] =	dma.local @!p0 [hbm:s6], $0xF7A  }
0x23: {  	s9 =	sor.u32 $0xD0000000, s2;
	s6 =	simm.s32 $0x108;
	_ =	swait.ge @!p0 [sflag:s8], $0x0  }
0x24: {  	s3 =	sadd.s32 $0x88, s3;
	s6 =	simm.s32 @!p1 $0x1082;
	[sflag:s4] =	ssyncset.s32 $0xFFFFF086  }
0x25: {  	[simem:s6], [sflag:s4] =	dma.local [hbm:s3], $0xF7A  }
0x26: {  	[smem:$0x3F9F] =	sst s1;
	(tag) =	ssettag s2;
	_ =	strace s9  }
0x27: {  	s1 =	sld [smem:$0x3FAF]  }
0x28: {  	s2 =	sld [smem:$0x3FB0]  }
0x29: {  	s4 =	sld [smem:$0x3FB2]  }
0x2a: {  	p0 =	seq.s32 s5, $0x0;
	s5 =	sld [smem:$0x3FB3]  }
0x2b: {  	s6 =	sld [smem:$0x3FB4]  }
0x2c: {  	s7 =	sld [smem:$0x3FB5]  }
0x2d: {  	s3 =	simm.s32 $0x108;
	s8 =	sld [smem:$0x3FB6]  }
0x2e: {  	s3 =	simm.s32 @!p0 $0x1082;
	s9 =	sld [smem:$0x3FB7]  }
0x2f: {  	lr =	sadd.s32 s0, s3;
	s0 =	sld [smem:$0x3FAE]  }
0x30: {  	s3 =	sld [smem:$0x3FB1]  }
0x31: {  	[smem:$0x3FBA] =	sst s10  }
0x32: {  	s10 =	sld [smem:$0x3FB8];
	_ =	sdelay $0x3  }
0x33: {  	p0 =	seq.s32 s10, $0x1;
	s10 =	sld [smem:$0x3FBA];
	_ =	sdelay $0x3  }
0x34: {  	[smem:$0x3FBA] =	sst s10  }
0x35: {  	s10 =	sld [smem:$0x3FB9];
	_ =	sdelay $0x3  }
0x36: {  	p1 =	seq.s32 s10, $0x1;
	s10 =	sld [smem:$0x3FBA];
	_ =	sdelay $0x3  }
0x37: {  	[smem:$0x3FBA] =	sst s10  }
0x38: {  	s10 =	sld [smem:$0x3FBB]  }
0x39: {  	_ = 	snop;
	(pc) =	sbr.ind lr, $3  }
0x3a: {  	_ = 	snop  }
0x3b: {  	_ = 	snop  }
0x3c: {  	p2 =	seq.s32 s10, $0x1;
	s10 =	sld [smem:$0x3FBA]  }
0x3d: {  	_ =	shalt  }
0x3e: {  	_ =	shalt  }
0x3f: {  	_ =	shalt  }
0x40: {  	_ =	shalt  }
0x41: {  	_ =	shalt  }
0x42: {  	_ =	shalt  }
0x43: {  	_ =	shalt  }
0x44: {  	_ =	shalt  }
0x45: {  	_ =	shalt  }
0x46: {  	_ =	shalt  }
0x47: {  	_ =	shalt  }
0x48: {  	_ =	shalt  }
0x49: {  	_ =	shalt  }
0x4a: {  	_ =	shalt  }
0x4b: {  	_ =	shalt  }
0x4c: {  	_ =	shalt  }
0x4d: {  	_ =	shalt  }
0x4e: {  	_ =	shalt  }
0x4f: {  	_ =	shalt  }
0x50: {  	_ =	shalt  }
0x51: {  	_ =	shalt  }
0x52: {  	_ =	shalt  }
0x53: {  	_ =	shalt  }
0x54: {  	_ =	shalt  }
0x55: {  	_ =	shalt  }
0x56: {  	_ =	shalt  }
0x57: {  	_ =	shalt  }
0x58: {  	_ =	shalt  }
0x59: {  	_ =	shalt  }
0x5a: {  	_ =	shalt  }
0x5b: {  	_ =	shalt  }
0x5c: {  	_ =	shalt  }
0x5d: {  	_ =	shalt  }
0x5e: {  	_ =	shalt  }
0x5f: {  	_ =	shalt  }
0x60: {  	_ =	shalt  }
0x61: {  	_ =	shalt  }
0x62: {  	_ =	shalt  }
0x63: {  	_ =	shalt  }
0x64: {  	_ =	shalt  }
0x65: {  	_ =	shalt  }
0x66: {  	_ =	shalt  }
0x67: {  	_ =	shalt  }
0x68: {  	_ =	shalt  }
0x69: {  	_ =	shalt  }
0x6a: {  	_ =	shalt  }
0x6b: {  	_ =	shalt  }
0x6c: {  	_ =	shalt  }
0x6d: {  	_ =	shalt  }
0x6e: {  	_ =	shalt  }
0x6f: {  	_ =	shalt  }
0x70: {  	_ =	shalt  }
0x71: {  	_ =	shalt  }
0x72: {  	_ =	shalt  }
0x73: {  	_ =	shalt  }
0x74: {  	_ =	shalt  }
0x75: {  	_ =	shalt  }
0x76: {  	_ =	shalt  }
0x77: {  	_ =	shalt  }
0x78: {  	_ =	shalt  }
0x79: {  	_ =	shalt  }
0x7a: {  	_ =	shalt  }
0x7b: {  	_ =	shalt  }
0x7c: {  	_ =	shalt  }
0x7d: {  	_ =	shalt  }
0x7e: {  	_ =	shalt  }
0x7f: {  	_ =	shalt  }
0x80: {  	_ =	shalt  }
0x81: {  	_ =	shalt  }
0x82: {  	_ =	shalt  }
0x83: {  	_ =	shalt  }
0x84: {  	_ =	shalt  }
0x85: {  	_ =	shalt  }
0x86: {  	_ =	shalt  }
0x87: {  	_ =	shalt  }
.Lfunc_end0:
.L_simem_size_0:
called_computation_lowered:
.L_overlay_start_0:
0x88: {  	s2 =	sld [smem:$0x3FD9]  }
0x89: {  	s3 =	sld [smem:$0x3FFE];
	_ =	sdelay $0x1  }
0x8a: {  	s1 =	srdreg.scid  }
0x8b: {  	s0 =	sand.u32 $0x1, s1  }
0x8c: {  	s14 =	sshll.u32 s0, $0xA;
	s2 =	sadd.s32 s3, s2  }
0x8d: {  	s2 =	sadd.s32 s2, s14  }
0x8e: {  	[smem:$0x3FC6] =	sst s2  }
0x8f: {  	_ = 	snop  }
0x90: {  	s2 =	sld [smem:$0x3FD0];
	_ =	sdelay $0x2  }
0x91: {  	s15 =	simm.s32 $0xA;
	s4 =	simm.s32 $0x10  }
0x92: {  	[smem:s4], [sflag:s15] =	dma.local [hbm:s2], $0x1  }
0x93: {  	_ =	swait.eq [sflag:s15], $0x1  }
0x94: {  	[sflag:s15] =	ssyncset.done $0x0  }
0x95: {  	[sflag:s15] =	ssyncadd.s32 $0xFFFFFFFF  }
0x96: {  	s16 =	sld [smem:$0x10];
	(tm) =	ssettm $0x1  }
0x97: {  	s17 =	sld [smem:$0x3FFB];
	_ =	sdelay $0x3  }
0x98: {  	_ =	strace s17  }
0x99: {  	s3 =	sld [smem:$0x3FFC];
	_ =	sdelay $0x3  }
0x9a: {  	_ =	strace s3  }
0x9b: {  	s3 =	sld [smem:$0x3FFD];
	_ =	sdelay $0x3  }
0x9c: {  	_ =	strace s3  }
0x9d: {  	_ =	strace $0x8FFFFFFF  }
0x9e: {  	s18 =	sld [smem:$0x3FDB];
	_ =	sdelay $0x1  }
0x9f: {  	s19 =	simm.s32 $_scs_section_size  }
0xa0: {  	s5 =	simm.s32 $_size__tile_overlayer_lowered;
	s6 =	simm.s32 $_tile_overlayer_lowered  }
0xa1: {  	s22 =	simm.s32 $0x1BFF;
	s21 =	sshll.u32 s6, $0x1;
	s3 =	sadd.s32 s19, s18  }
0xa2: {  	s7 =	simm.s32 $0x0;
	s20 =	sshll.u32 s5, $0x1;
	s5 =	sadd.s32 s21, s3  }
0xa3: {  	[timem:s7], [sflag:s22] =	dma.local [hbm:s5], s20  }
0xa4: {  	_ =	swait.ge [sflag:s22], s20  }
0xa5: {  	s4 =	ssub.s32 $0x0, s20;
	[sflag:s22] =	ssyncset.done $0x0  }
0xa6: {  	[sflag:s22] =	ssyncadd.s32 s4;
	_ =	sdelay $0x1  }
0xa7: {  	s23 =	simm.s32 $0x1B8B  }
0xa8: {  	_ =	swait.ge [sflag:s23], $0x1  }
0xa9: {  	[sflag:s23] =	ssyncset.done $0x0  }
0xaa: {  	s25 =	simm.s32 $0x1B8E;
	s24 =	sld [smem:$0x3FFE];
	[sflag:s23] =	ssyncadd.s32 $0xFFFFFFFF  }
0xab: {  	s26 =	simm.s32 $execute0_lowered;
	[smem:$0x3FD2] =	sst s25  }
0xac: {  	s5 =	sshll.u32 s26, $0x1;
	_ =	strace $0x80000046;
	[dreg:$0x1] =	wrdreg $0xFFFFFFFF  }
0xad: {  	s28 =	simm.s32 $_size_execute0_lowered;
	s3 =	sadd.s32 s3, s5;
	[dreg:$0x0] =	wrdreg $0x0  }
0xae: {  	s5 =	sshll.u32 s28, $0x1;
	[dreg:$0x2] =	wrdreg s3  }
0xaf: {  	[dreg:$0x3] =	wrdreg s5  }
0xb0: {  	[dreg:$0x4] =	wrdreg $0xC0  }
0xb1: {  	_ =	task [dreg:s7], $0x5FFFF  }
0xb2: {  	[dreg:$0x1] =	wrdreg $0xFFFFFFFF  }
0xb3: {  	[dreg:$0x0] =	wrdreg $0x60  }
0xb4: {  	[dreg:$0x2] =	wrdreg s24  }
0xb5: {  	[dreg:$0x3] =	wrdreg s16  }
0xb6: {  	[dreg:$0x4] =	wrdreg $0x9  }
0xb7: {  	_ =	task.clear_ibuf [dreg:s7], $0x5FFFF;
	_ =	strace $0x90000046  }
0xb8: {  	s29 =	simm.s32 $0x9;
	_ =	strace $0x80000048  }
0xb9: {  	_ =	swait.ge [sflag:s29], $0x1  }
0xba: {  	[sflag:s29] =	ssyncadd.s32 $0xFFFFFFFF  }
0xbb: {  	_ =	strace $0x90000048  }
0xbc: {  	_ =	sfence  }
0xbd: {  	s30 =	sld [smem:$0x0];
	_ =	sdelay $0x2  }
0xbe: {  	s31 =	sshll.u32 s1, $0xD;
	s1 =	sshrl.u32 s1, $0x2  }
0xbf: {  	s3 =	sand.u32 $0x4000, s31;
	s1 =	sadd.s32 s1, s30  }
0xc0: {  	s0 =	sor.u32 s3, s0;
	s1 =	sshll.u32 s1, $0x11  }
0xc1: {  	s0 =	sor.u32 s1, s0  }
0xc2: {  	s0 =	sadd.s32 $0x8F2B, s0  }
0xc3: {  	[sflag:s0] =	ssyncadd.remote.s32 $0x1  }
0xc4: {  	_ =	sfence.sel $0xFFFF  }
0xc5: {  	[dreg:$0x0] =	wrdreg $0xFFFFFFFF;
	(pc) =	sbr.abs _section_cstart, $3  }
0xc6: {  	[dreg:$0x1] =	wrdreg $0xFFFFFFFF  }
0xc7: {  	_ =	task.clear_ibuf [dreg:s7], $0x2FFFF;
	_ =	strace $0x9FFFFFFF  }
0xc8: {  	(tm) =	ssettm $0x7FFFFFFF  }
0xc9: {  	_ =	shalt  }
tec
execute0_lowered:
.L_overlay_start_1:
0x0: {  	(tag) =	ssettag $0x1  }
0x1: {  	s4 =	rddreg [dreg:$0x0]  }
0x2: {  	s5 =	rddreg [dreg:$0x1]  }
0x3: {  	s0 =	rddreg [dreg:$0x2]  }
0x4: {  	s2 =	simm.s32 $0x0;
	s3 =	srdreg.scid;
	s1 =	stileid.u32  }
0x5: {  	s11 =	simm.s32 $0x200;
	s12 =	simm.s32 $0x1;
	s13 =	simm.s32 $0x1200  }
0x6: {  	s14 =	simm.s32 $0x100;
	s15 =	simm.s32 $0x2200;
	s16 =	simm.s32 $0x180  }
0x7: {  	s17 =	simm.s32 $0x3200;
	s18 =	simm.s32 $0x0;
	[smem:$0x7FF] =	sst s2  }
0x8: {  	s3 =	sand.u32 $0x1, s3;
	s6 =	sshll.u32 s1, $0x1;
	_ =	strace $0x80000047  }
0x9: {  	s6 =	sor.u32 s3, s6;
	s7 =	ssub.s32 $0x2, s3;
	s3 =	sadd.s32 $0x800, s4  }
0xa: {  	s8 =	sshll.u32 s6, $0xB;
	s9 =	sshrl.u32 s7, $0x1;
	s6 =	sshll.u32 s6, $0x6  }
0xb: {  	s10 =	sadd.s32 s8, s4;
	s7 =	ssub.s32 s7, s9;
	s4 =	sadd.s32 s4, s6  }
0xc: {  	s5 =	sadd.s32 s5, s8;
	s8 =	simm.s32 $0x2;
	s9 =	simm.s32 $0x4200  }
0xd: {  	s6 =	sadd.s32 $0x8800, s10;
	s7 =	smax.u32 s7, $0x1;
	s10 =	simm.s32 $0x80  }
.LBB2_1:
0xe: {  	[tilespmem:s2], [sflag:$0x2] =	stream.linear.gather [hbm4b:s4+s2], $0x200, $0x38;
	[tilespmem:$0x8200] =	vst v63  }
0xf: {  	_ =	swait.ge [sflag:s8], $0x200  }
0x10: {  	[sflag:s8] =	ssyncset.done $0x0  }
0x11: {  	[sflag:s8] =	ssyncadd.s32 $0xFFFFFE00  }
0x12: {  	[tilespmem:s9], [sflag:$0x2] =	stream.linear.gather [hbm4b:s5+s2], $0x4000, $0x38;
	[tilespmem:$0x8200] =	vst v63  }
0x13: {  	_ =	swait.ge [sflag:s8], $0x4000  }
0x14: {  	[sflag:s8] =	ssyncset.done $0x0  }
0x15: {  	[sflag:s8] =	ssyncadd.s32 $0xFFFFC000  }
0x16: {  	[tilespmem:s11], [sflag:$0x1] =	stream.indirect.gather [hbm4b:s3+s10], $0x20, s2, s10, $0xb8;
	[tilespmem:$0x8200] =	vst v63  }
0x17: {  	_ =	swait.ge [sflag:s12], $0x1000  }
0x18: {  	[sflag:s12] =	ssyncset.done $0x0  }
0x19: {  	[sflag:s12] =	ssyncadd.s32 $0xFFFFF000  }
0x1a: {  	[tilespmem:s13], [sflag:$0x1] =	stream.indirect.gather [hbm4b:s3+s10], $0x20, s10, s10, $0xb8;
	[tilespmem:$0x8200] =	vst v63  }
0x1b: {  	_ =	swait.ge [sflag:s12], $0x1000  }
0x1c: {  	[sflag:s12] =	ssyncset.done $0x0  }
0x1d: {  	[sflag:s12] =	ssyncadd.s32 $0xFFFFF000  }
0x1e: {  	[tilespmem:s15], [sflag:$0x1] =	stream.indirect.gather [hbm4b:s3+s10], $0x20, s14, s10, $0xb8;
	[tilespmem:$0x8200] =	vst v63  }
0x1f: {  	_ =	swait.ge [sflag:s12], $0x1000  }
0x20: {  	[sflag:s12] =	ssyncset.done $0x0  }
0x21: {  	[sflag:s12] =	ssyncadd.s32 $0xFFFFF000  }
0x22: {  	[tilespmem:s17], [sflag:$0x1] =	stream.indirect.gather [hbm4b:s3+s10], $0x20, s16, s10, $0xb8;
	[tilespmem:$0x8200] =	vst v63  }
0x23: {  	_ =	swait.ge [sflag:s12], $0x1000  }
0x24: {  	[sflag:s12] =	ssyncset.done $0x0  }
0x25: {  	s19 =	simm.s32 $0x0;
	[sflag:s12] =	ssyncadd.s32 $0xFFFFF000  }
0x26: {  	v0 =	vld [tilespmem:s19+$0x4200]  }
0x27: {  	v1 =	vld [tilespmem:s19+$0x4210]  }
0x28: {  	s20 =	simm.s32 $0x80;
	v2 =	vld [tilespmem:s19+$0x200]  }
.LBB2_2:
0x29: {  	p0 =	sne.s32 s20, $0xFF80;
	v3 =	vld [tilespmem:s19+$0x210];
	_ =	sdelay $0x3  }
0x2a: {  	v2 =	vsub.f32 v2, v0  }
.Ltmp0:
0x2b: {  	v3 =	vsub.f32 v3, v1;
	(pc) =	sbr.rel @p0 .LBB2_2-.Ltmp0, $4  }
0x2c: {  	s21 =	sshra.s32 s20, $0x2;
	v2 =	vadd.f32 v2, v0  }
0x2d: {  	v0 =	vld [tilespmem:s21+$0x4200];
	v3 =	vadd.f32 v3, v1  }
0x2e: {  	v1 =	vld [tilespmem:s21+$0x4210];
	[tilespmem:s19+$0x200] =	vst v2  }
0x2f: {  	s20 =	sadd.s32 $0x80, s20;
	v2 =	vld [tilespmem:s21+$0x200];
	[tilespmem:s19+$0x210] =	vst v3;
	s19 =	smov.u32 s21  }
0x30: {  	v3 =	vld [tilespmem:s19+$0x210];
	_ =	sdelay $0x3  }
0x31: {  	v2 =	vsub.f32 v2, v0  }
0x32: {  	v3 =	vsub.f32 v3, v1  }
0x33: {  	v0 =	vadd.f32 v2, v0  }
0x34: {  	s18 =	sadd.s32 $0x1, s18;
	v1 =	vadd.f32 v3, v1  }
0x35: {  	p0 =	sne.s32 s18, s7;
	[tilespmem:s19+$0x200] =	vst v0  }
.Ltmp1:
0x36: {  	[tilespmem:s19+$0x210] =	vst v1;
	(pc) =	sbr.rel @p0 .LBB2_1-.Ltmp1, $4  }
0x37: {  	[hbm4b:s6+s2] =	stream.linear.scatter [tilespmem:s11], [sflag:$0x2], $0x4000, $0x38;
	[tilespmem:$0x8200] =	vst v63  }
0x38: {  	_ =	swait.ge [sflag:s8], $0x4000  }
0x39: {  	[sflag:s8] =	ssyncset.done $0x0  }
0x3a: {  	[sflag:s8] =	ssyncadd.s32 $0xFFFFC000  }
0x3b: {  	_ =	sfence.sel $0x180000  }
0x3c: {  	[bflag:$0x0] =	sbarrier.arrive $0xFFFF  }
0x3d: {  	p0 =	sne.s32 s1, $0x0;
	_ =	strace $0x90000047  }
0x3e: {  	s0 =	sadd.s32 @!p0 $0x100000, s0;
	[bflag:$0x2] =	sbarrier.arrive $0xFFFF  }
0x3f: {  	[sflag:s0] =	ssyncadd.tile.s32 @!p0 $0x1;
	_ =	shalt  }
.Lfunc_end2:
_tile_overlayer_lowered:
.L_overlay_start_2:
0x40: {  	(tag) =	ssettag $0x2  }
0x41: {  	s0 =	rddreg [dreg:$0x0];
	s2 =	stileid.u32  }
0x42: {  	s1 =	rddreg [dreg:$0x1];
	p0 =	sne.s32 s2, $0x0  }
0x43: {  	s3 =	rddreg [dreg:$0x2];
	[bflag:$0x3] =	sbarrier.arrive $0xFFFF;
	s2 =	simm.s32 @!p0 $0x1C02  }
0x44: {  	[timem:s3], [sflag:s2] =	dma.local @!p0 [hbm:s0], s1  }
0x45: {  	s0 =	simm.s32 @!p0 $0x2  }
0x46: {  	_ =	swait.ge @!p0 [sflag:s0], s1  }
0x47: {  	s1 =	ssub.s32 @!p0 $0x0, s1;
	[sflag:s0] =	ssyncset.done @!p0 $0x0  }
0x48: {  	[sflag:s0] =	ssyncadd.s32 @!p0 s1  }
0x49: {  	[bflag:$0x3] =	sbarrier.arrive $0xFFFF  }
0x4a: {  	_ =	shalt  }

</sc_bundles>
